<compile_context>
chip_gen: v7x
topology: tpu7x:2x2x1
jax: 0.10.2.dev20260603
libtpu: 0.0.44.dev20260713+nightly
codegen_flags: <defaults>
</compile_context>

<pallas_src>
import functools

import jax
import jax.numpy as jnp
from jax import lax
from jax.experimental import pallas as pl
from jax.experimental.pallas import tpu as pltpu
from jax.experimental.pallas import tpu_sc as plsc

DIM = 128
NC = 2
NS = 16
NW = NC * NS
G = 128


NBUF = 2
GPB = 2


def _emb_body(h_per_w, idx_hbm, tbl_hbm, out_hbm, idx_v, *rest):
    bufs = rest[:NBUF]
    gsems = rest[NBUF:2 * NBUF]
    wsems = rest[2 * NBUF:3 * NBUF]
    R = GPB * G

    wid = lax.axis_index("s") * NC + lax.axis_index("c")
    hbase = wid * h_per_w
    rbase = hbase * R
    pltpu.sync_copy(idx_hbm.at[pl.ds(hbase * GPB, h_per_w * GPB)], idx_v)

    def out_at(j):
        return out_hbm.at[pl.ds(rbase + j * R, R)]

    def fire_gathers(j, b):
        for q in range(GPB):
            pltpu.async_copy(tbl_hbm.at[idx_v.at[j * GPB + q]],
                             bufs[b].at[pl.ds(q * G, G)], gsems[b])

    def wait_gathers(j, b):
        for q in range(GPB):
            pltpu.make_async_copy(tbl_hbm.at[idx_v.at[j * GPB + q]],
                                  bufs[b].at[pl.ds(q * G, G)], gsems[b]).wait()

    fire_gathers(0, 0)

    @pl.loop(0, h_per_w, step=NBUF)
    def step(j0):
        for b in range(NBUF):
            nb = (b + 1) % NBUF
            j = j0 + b

            @pl.when(j >= 1)
            def _():
                pltpu.make_async_copy(bufs[nb], out_at(j - 1), wsems[nb]).wait()

            @pl.when(j + 1 < h_per_w)
            def _():
                fire_gathers(j + 1, nb)

            wait_gathers(j, b)
            pltpu.async_copy(bufs[b], out_at(j), wsems[b])

    lb = (h_per_w - 1) % NBUF
    pltpu.make_async_copy(bufs[lb], out_at(h_per_w - 1), wsems[lb]).wait()


def kernel(x, table):
    B, L = x.shape
    N = B * L
    R = GPB * G
    assert N % (NW * R) == 0
    h_per_w = N // (NW * R)
    idx = x.reshape(N // G, G).astype(jnp.int32)

    mesh = plsc.VectorSubcoreMesh(core_axis_name="c", subcore_axis_name="s")
    emb = functools.partial(
        pl.kernel,
        out_type=jax.ShapeDtypeStruct((N, DIM), jnp.float32),
        mesh=mesh,
        scratch_types=(
            [pltpu.VMEM((h_per_w * GPB, G), jnp.int32)]
            + [pltpu.VMEM((R, DIM), jnp.float32) for _ in range(NBUF)]
            + [pltpu.SemaphoreType.DMA for _ in range(2 * NBUF)]
        ),
    )(functools.partial(_emb_body, h_per_w))

    out = emb(idx, table)
    return out.reshape(B, L, DIM)

# --- scband reference (transcript-rebuilt; emitter-appended) ---
"""Pipeline reference for scband-embedding-62740882260383 (READ-ONLY COPY).

The authoritative reference and input builder live on the scoring server;
editing this copy changes nothing except your own understanding.
"""

import jax, jax.numpy as jnp
import numpy as np

VOCAB = 100000
DIM = 128
B = 4096
L = 200


def setup_inputs(seed: int = 0) -> dict:
    key = jax.random.key(seed)
    k_idx, k_tbl = jax.random.split(key)
    x = jax.random.randint(k_idx, (B, L), 0, VOCAB, dtype=jnp.int64) if jax.config.jax_enable_x64 else jax.random.randint(k_idx, (B, L), 0, VOCAB, dtype=jnp.int32)
    table = jax.random.normal(k_tbl, (VOCAB, DIM), dtype=jnp.float32)
    # padding_idx=0: row 0 is zero and receives no gradient
    table = table.at[0].set(0.0)
    return {"x": x, "table": table}


def reference(x, table):
    # nn.Embedding with padding_idx=0: enforce zero row via mask
    mask = jnp.ones((VOCAB, 1), dtype=table.dtype).at[0].set(0.0)
    tbl = table * mask
    out = jnp.take(tbl, x, axis=0)  # (B, L, DIM)
    # Dropout in eval/inference mode is identity
    return out

if __name__ == "__main__":
    import jax
    _d = setup_inputs()
    print(jax.jit(kernel)(*tuple(_d.values())))

</pallas_src>

<mosaic_0001>
#map = affine_map<(d0, d1) -> (0, 0)>
module attributes {stable_mosaic.version = 14 : i64} {
  func.func @_emb_body(%arg0: i32, %arg1: i32, %arg2: memref<6400x128xi32, #tpu.memory_space<hbm>>, %arg3: memref<100000x128xf32, #tpu.memory_space<hbm>>, %arg4: memref<819200x128xf32, #tpu.memory_space<hbm>>, %arg5: memref<200x128xi32, #tpu.memory_space<vmem>>, %arg6: memref<256x128xf32, #tpu.memory_space<vmem>>, %arg7: memref<256x128xf32, #tpu.memory_space<vmem>>, %arg8: memref<!tpu.dma_semaphore, #tpu.memory_space<semaphore_mem>>, %arg9: memref<!tpu.dma_semaphore, #tpu.memory_space<semaphore_mem>>, %arg10: memref<!tpu.dma_semaphore, #tpu.memory_space<semaphore_mem>>, %arg11: memref<!tpu.dma_semaphore, #tpu.memory_space<semaphore_mem>>) attributes {dimension_semantics = [#tpu.dimension_semantics<core_parallel>, #tpu.dimension_semantics<subcore_parallel>], iteration_bounds = array<i64: 2, 16>, scalar_prefetch = 0 : i64, scratch_operands = 7 : i64, tpu.core_type = #tpu.core_type<sc_vector_subcore>, window_params = [{transform_indices = #map}, {transform_indices = #map}, {transform_indices = #map}]} {
    %mul3A = arith.constant 2 : i32
    %mul3A_0 = arith.muli %arg1, %mul3A : i32
    %add3A = arith.addi %mul3A_0, %arg0 : i32
    %mul3A_1 = arith.constant 100 : i32
    %mul3A_2 = arith.muli %add3A, %mul3A_1 : i32
    %mul3A_3 = arith.constant 256 : i32
    %mul3A_4 = arith.muli %mul3A_2, %mul3A_3 : i32
    %mul3A_5 = arith.constant 2 : i32
    %mul3A_6 = arith.muli %mul3A_2, %mul3A_5 : i32
    "tpu.region"() ({
      %run_scoped3A = tpu.sem_alloc : memref<!tpu.dma_semaphore, #tpu.memory_space<semaphore_mem>>
      %dma_start3A_35 = arith.constant 0 : i32
      %dma_start3A_36 = tpu.memref_slice %arg2[%mul3A_6, %dma_start3A_35] : memref<6400x128xi32, #tpu.memory_space<hbm>> -> memref<200x128xi32, #tpu.memory_space<hbm>>
      %dma_start3A_37 = arith.constant 0 : i32
      %dma_start3A_38 = tpu.memref_slice %arg2[%mul3A_6, %dma_start3A_37] : memref<6400x128xi32, #tpu.memory_space<hbm>> -> memref<200x128xi32, #tpu.memory_space<hbm>>
      tpu.enqueue_dma source(%dma_start3A_38 : memref<200x128xi32, #tpu.memory_space<hbm>>) target(%arg5 : memref<200x128xi32, #tpu.memory_space<vmem>>) target_semaphore(%run_scoped3A : memref<!tpu.dma_semaphore, #tpu.memory_space<semaphore_mem>>)
      %dma_wait3A_39 = arith.constant 0 : i32
      %dma_wait3A_40 = tpu.memref_slice %arg2[%mul3A_6, %dma_wait3A_39] : memref<6400x128xi32, #tpu.memory_space<hbm>> -> memref<200x128xi32, #tpu.memory_space<hbm>>
      %dma_wait3A_41 = arith.constant 0 : i32
      %dma_wait3A_42 = tpu.memref_slice %arg2[%mul3A_6, %dma_wait3A_41] : memref<6400x128xi32, #tpu.memory_space<hbm>> -> memref<200x128xi32, #tpu.memory_space<hbm>>
      tpu.wait_dma2 semaphore(%run_scoped3A : memref<!tpu.dma_semaphore, #tpu.memory_space<semaphore_mem>>) src(%dma_wait3A_42 : memref<200x128xi32, #tpu.memory_space<hbm>>) dst(%arg5 : memref<200x128xi32, #tpu.memory_space<vmem>>)
      tpu.yield
    }) : () -> ()
    %dma_start3A = arith.constant 0 : i32
    %dma_start3A_7 = arith.constant 0 : i32
    %dma_start3A_8 = arith.constant 0 : i32
    %dma_start3A_9 = tpu.memref_slice %arg6[%dma_start3A_7, %dma_start3A_8] : memref<256x128xf32, #tpu.memory_space<vmem>> -> memref<128x128xf32, #tpu.memory_space<vmem>>
    %dma_start3A_10 = arith.constant 0 : i32
    %dma_start3A_11 = tpu.memref_slice %arg5[%dma_start3A, %dma_start3A_10] : memref<200x128xi32, #tpu.memory_space<vmem>> -> memref<1x128xi32, #tpu.memory_space<vmem>>
    %dma_start3A_12 = tpu.memref_squeeze %dma_start3A_11 : memref<1x128xi32, #tpu.memory_space<vmem>> -> memref<128xi32, #tpu.memory_space<vmem>>
    %dma_start3A_13 = arith.constant 0 : i32
    %dma_start3A_14 = arith.constant 0 : i32
    %dma_start3A_15 = tpu.memref_slice %arg3[%dma_start3A_13, %dma_start3A_14] : memref<100000x128xf32, #tpu.memory_space<hbm>> -> memref<100000x128xf32, #tpu.memory_space<hbm>>
    tpu.enqueue_indirect_dma source(%dma_start3A_15 : memref<100000x128xf32, #tpu.memory_space<hbm>>) target(%dma_start3A_9 : memref<128x128xf32, #tpu.memory_space<vmem>>) offsets(%dma_start3A_12 : memref<128xi32, #tpu.memory_space<vmem>>) semaphore(%arg8 : memref<!tpu.dma_semaphore, #tpu.memory_space<semaphore_mem>>)
    %dma_start3A_16 = arith.constant 1 : i32
    %dma_start3A_17 = arith.constant 128 : i32
    %dma_start3A_18 = arith.constant 0 : i32
    %dma_start3A_19 = tpu.memref_slice %arg6[%dma_start3A_17, %dma_start3A_18] : memref<256x128xf32, #tpu.memory_space<vmem>> -> memref<128x128xf32, #tpu.memory_space<vmem>>
    %dma_start3A_20 = arith.constant 0 : i32
    %dma_start3A_21 = tpu.memref_slice %arg5[%dma_start3A_16, %dma_start3A_20] : memref<200x128xi32, #tpu.memory_space<vmem>> -> memref<1x128xi32, #tpu.memory_space<vmem>>
    %dma_start3A_22 = tpu.memref_squeeze %dma_start3A_21 : memref<1x128xi32, #tpu.memory_space<vmem>> -> memref<128xi32, #tpu.memory_space<vmem>>
    %dma_start3A_23 = arith.constant 0 : i32
    %dma_start3A_24 = arith.constant 0 : i32
    %dma_start3A_25 = tpu.memref_slice %arg3[%dma_start3A_23, %dma_start3A_24] : memref<100000x128xf32, #tpu.memory_space<hbm>> -> memref<100000x128xf32, #tpu.memory_space<hbm>>
    tpu.enqueue_indirect_dma source(%dma_start3A_25 : memref<100000x128xf32, #tpu.memory_space<hbm>>) target(%dma_start3A_19 : memref<128x128xf32, #tpu.memory_space<vmem>>) offsets(%dma_start3A_22 : memref<128xi32, #tpu.memory_space<vmem>>) semaphore(%arg8 : memref<!tpu.dma_semaphore, #tpu.memory_space<semaphore_mem>>)
    %scan3A = arith.constant 0 : i32
    %scan3A_26 = arith.constant 50 : i32
    %scan3A_27 = arith.addi %scan3A, %scan3A_26 : i32
    %scan3A_28 = arith.constant 1 : i32
    scf.for %scan3A_35 = %scan3A to %scan3A_27 step %scan3A_28  : i32 {
      %mul3A_36 = arith.constant 2 : i32
      %mul3A_37 = arith.muli %scan3A_35, %mul3A_36 : i32
      %add3A_38 = arith.constant 0 : i32
      %add3A_39 = arith.addi %add3A_38, %mul3A_37 : i32
      %add3A_40 = arith.constant 0 : i32
      %add3A_41 = arith.addi %add3A_39, %add3A_40 : i32
      %ge3A = arith.constant 1 : i32
      %ge3A_42 = arith.cmpi sge, %add3A_41, %ge3A : i32
      %convert_element_type3A = arith.extui %ge3A_42 : i1 to i32
      %cond3A = arith.constant 0 : i32
      %cond3A_43 = arith.cmpi ne, %convert_element_type3A, %cond3A : i32
      scf.if %cond3A_43 {
        %sub3A = arith.constant 1 : i32
        %sub3A_130 = arith.subi %add3A_41, %sub3A : i32
        %mul3A_131 = arith.constant 256 : i32
        %mul3A_132 = arith.muli %sub3A_130, %mul3A_131 : i32
        %add3A_133 = arith.addi %mul3A_4, %mul3A_132 : i32
        %dma_wait3A_134 = arith.constant 0 : i32
        %dma_wait3A_135 = tpu.memref_slice %arg4[%add3A_133, %dma_wait3A_134] : memref<819200x128xf32, #tpu.memory_space<hbm>> -> memref<256x128xf32, #tpu.memory_space<hbm>>
        %dma_wait3A_136 = arith.constant 0 : i32
        %dma_wait3A_137 = tpu.memref_slice %arg4[%add3A_133, %dma_wait3A_136] : memref<819200x128xf32, #tpu.memory_space<hbm>> -> memref<256x128xf32, #tpu.memory_space<hbm>>
        tpu.wait_dma2 semaphore(%arg11 : memref<!tpu.dma_semaphore, #tpu.memory_space<semaphore_mem>>) src(%arg7 : memref<256x128xf32, #tpu.memory_space<vmem>>) dst(%dma_wait3A_137 : memref<256x128xf32, #tpu.memory_space<hbm>>)
      } else {
      }
      %add3A_44 = arith.constant 1 : i32
      %add3A_45 = arith.addi %add3A_41, %add3A_44 : i32
      %lt3A = arith.constant 100 : i32
      %lt3A_46 = arith.cmpi slt, %add3A_45, %lt3A : i32
      %convert_element_type3A_47 = arith.extui %lt3A_46 : i1 to i32
      %cond3A_48 = arith.constant 0 : i32
      %cond3A_49 = arith.cmpi ne, %convert_element_type3A_47, %cond3A_48 : i32
      scf.if %cond3A_49 {
        %add3A_130 = arith.constant 1 : i32
        %add3A_131 = arith.addi %add3A_41, %add3A_130 : i32
        %mul3A_132 = arith.constant 2 : i32
        %mul3A_133 = arith.muli %add3A_131, %mul3A_132 : i32
        %add3A_134 = arith.constant 0 : i32
        %add3A_135 = arith.addi %mul3A_133, %add3A_134 : i32
        %dma_start3A_136 = arith.constant 0 : i32
        %dma_start3A_137 = arith.constant 0 : i32
        %dma_start3A_138 = tpu.memref_slice %arg7[%dma_start3A_136, %dma_start3A_137] : memref<256x128xf32, #tpu.memory_space<vmem>> -> memref<128x128xf32, #tpu.memory_space<vmem>>
        %dma_start3A_139 = arith.constant 0 : i32
        %dma_start3A_140 = tpu.memref_slice %arg5[%add3A_135, %dma_start3A_139] : memref<200x128xi32, #tpu.memory_space<vmem>> -> memref<1x128xi32, #tpu.memory_space<vmem>>
        %dma_start3A_141 = tpu.memref_squeeze %dma_start3A_140 : memref<1x128xi32, #tpu.memory_space<vmem>> -> memref<128xi32, #tpu.memory_space<vmem>>
        %dma_start3A_142 = arith.constant 0 : i32
        %dma_start3A_143 = arith.constant 0 : i32
        %dma_start3A_144 = tpu.memref_slice %arg3[%dma_start3A_142, %dma_start3A_143] : memref<100000x128xf32, #tpu.memory_space<hbm>> -> memref<100000x128xf32, #tpu.memory_space<hbm>>
        tpu.enqueue_indirect_dma source(%dma_start3A_144 : memref<100000x128xf32, #tpu.memory_space<hbm>>) target(%dma_start3A_138 : memref<128x128xf32, #tpu.memory_space<vmem>>) offsets(%dma_start3A_141 : memref<128xi32, #tpu.memory_space<vmem>>) semaphore(%arg9 : memref<!tpu.dma_semaphore, #tpu.memory_space<semaphore_mem>>)
        %mul3A_145 = arith.constant 2 : i32
        %mul3A_146 = arith.muli %add3A_131, %mul3A_145 : i32
        %add3A_147 = arith.constant 1 : i32
        %add3A_148 = arith.addi %mul3A_146, %add3A_147 : i32
        %dma_start3A_149 = arith.constant 128 : i32
        %dma_start3A_150 = arith.constant 0 : i32
        %dma_start3A_151 = tpu.memref_slice %arg7[%dma_start3A_149, %dma_start3A_150] : memref<256x128xf32, #tpu.memory_space<vmem>> -> memref<128x128xf32, #tpu.memory_space<vmem>>
        %dma_start3A_152 = arith.constant 0 : i32
        %dma_start3A_153 = tpu.memref_slice %arg5[%add3A_148, %dma_start3A_152] : memref<200x128xi32, #tpu.memory_space<vmem>> -> memref<1x128xi32, #tpu.memory_space<vmem>>
        %dma_start3A_154 = tpu.memref_squeeze %dma_start3A_153 : memref<1x128xi32, #tpu.memory_space<vmem>> -> memref<128xi32, #tpu.memory_space<vmem>>
        %dma_start3A_155 = arith.constant 0 : i32
        %dma_start3A_156 = arith.constant 0 : i32
        %dma_start3A_157 = tpu.memref_slice %arg3[%dma_start3A_155, %dma_start3A_156] : memref<100000x128xf32, #tpu.memory_space<hbm>> -> memref<100000x128xf32, #tpu.memory_space<hbm>>
        tpu.enqueue_indirect_dma source(%dma_start3A_157 : memref<100000x128xf32, #tpu.memory_space<hbm>>) target(%dma_start3A_151 : memref<128x128xf32, #tpu.memory_space<vmem>>) offsets(%dma_start3A_154 : memref<128xi32, #tpu.memory_space<vmem>>) semaphore(%arg9 : memref<!tpu.dma_semaphore, #tpu.memory_space<semaphore_mem>>)
      } else {
      }
      %mul3A_50 = arith.constant 2 : i32
      %mul3A_51 = arith.muli %add3A_41, %mul3A_50 : i32
      %add3A_52 = arith.constant 0 : i32
      %add3A_53 = arith.addi %mul3A_51, %add3A_52 : i32
      %dma_wait3A_54 = arith.constant 0 : i32
      %dma_wait3A_55 = arith.constant 0 : i32
      %dma_wait3A_56 = tpu.memref_slice %arg6[%dma_wait3A_54, %dma_wait3A_55] : memref<256x128xf32, #tpu.memory_space<vmem>> -> memref<128x128xf32, #tpu.memory_space<vmem>>
      %dma_wait3A_57 = arith.constant 0 : i32
      %dma_wait3A_58 = tpu.memref_slice %arg5[%add3A_53, %dma_wait3A_57] : memref<200x128xi32, #tpu.memory_space<vmem>> -> memref<1x128xi32, #tpu.memory_space<vmem>>
      %dma_wait3A_59 = tpu.memref_squeeze %dma_wait3A_58 : memref<1x128xi32, #tpu.memory_space<vmem>> -> memref<128xi32, #tpu.memory_space<vmem>>
      %dma_wait3A_60 = arith.constant 0 : i32
      %dma_wait3A_61 = arith.constant 0 : i32
      %dma_wait3A_62 = tpu.memref_slice %arg3[%dma_wait3A_60, %dma_wait3A_61] : memref<100000x128xf32, #tpu.memory_space<hbm>> -> memref<100000x128xf32, #tpu.memory_space<hbm>>
      tpu.wait_indirect_dma semaphore(%arg8 : memref<!tpu.dma_semaphore, #tpu.memory_space<semaphore_mem>>) src(%dma_wait3A_62 : memref<100000x128xf32, #tpu.memory_space<hbm>>) dst(%dma_wait3A_56 : memref<128x128xf32, #tpu.memory_space<vmem>>)
      %mul3A_63 = arith.constant 2 : i32
      %mul3A_64 = arith.muli %add3A_41, %mul3A_63 : i32
      %add3A_65 = arith.constant 1 : i32
      %add3A_66 = arith.addi %mul3A_64, %add3A_65 : i32
      %dma_wait3A_67 = arith.constant 128 : i32
      %dma_wait3A_68 = arith.constant 0 : i32
      %dma_wait3A_69 = tpu.memref_slice %arg6[%dma_wait3A_67, %dma_wait3A_68] : memref<256x128xf32, #tpu.memory_space<vmem>> -> memref<128x128xf32, #tpu.memory_space<vmem>>
      %dma_wait3A_70 = arith.constant 0 : i32
      %dma_wait3A_71 = tpu.memref_slice %arg5[%add3A_66, %dma_wait3A_70] : memref<200x128xi32, #tpu.memory_space<vmem>> -> memref<1x128xi32, #tpu.memory_space<vmem>>
      %dma_wait3A_72 = tpu.memref_squeeze %dma_wait3A_71 : memref<1x128xi32, #tpu.memory_space<vmem>> -> memref<128xi32, #tpu.memory_space<vmem>>
      %dma_wait3A_73 = arith.constant 0 : i32
      %dma_wait3A_74 = arith.constant 0 : i32
      %dma_wait3A_75 = tpu.memref_slice %arg3[%dma_wait3A_73, %dma_wait3A_74] : memref<100000x128xf32, #tpu.memory_space<hbm>> -> memref<100000x128xf32, #tpu.memory_space<hbm>>
      tpu.wait_indirect_dma semaphore(%arg8 : memref<!tpu.dma_semaphore, #tpu.memory_space<semaphore_mem>>) src(%dma_wait3A_75 : memref<100000x128xf32, #tpu.memory_space<hbm>>) dst(%dma_wait3A_69 : memref<128x128xf32, #tpu.memory_space<vmem>>)
      %mul3A_76 = arith.constant 256 : i32
      %mul3A_77 = arith.muli %add3A_41, %mul3A_76 : i32
      %add3A_78 = arith.addi %mul3A_4, %mul3A_77 : i32
      %dma_start3A_79 = arith.constant 0 : i32
      %dma_start3A_80 = tpu.memref_slice %arg4[%add3A_78, %dma_start3A_79] : memref<819200x128xf32, #tpu.memory_space<hbm>> -> memref<256x128xf32, #tpu.memory_space<hbm>>
      %dma_start3A_81 = arith.constant 0 : i32
      %dma_start3A_82 = tpu.memref_slice %arg4[%add3A_78, %dma_start3A_81] : memref<819200x128xf32, #tpu.memory_space<hbm>> -> memref<256x128xf32, #tpu.memory_space<hbm>>
      tpu.enqueue_dma source(%arg6 : memref<256x128xf32, #tpu.memory_space<vmem>>) target(%dma_start3A_82 : memref<256x128xf32, #tpu.memory_space<hbm>>) target_semaphore(%arg10 : memref<!tpu.dma_semaphore, #tpu.memory_space<semaphore_mem>>)
      %add3A_83 = arith.constant 1 : i32
      %add3A_84 = arith.addi %add3A_39, %add3A_83 : i32
      %ge3A_85 = arith.constant 1 : i32
      %ge3A_86 = arith.cmpi sge, %add3A_84, %ge3A_85 : i32
      %convert_element_type3A_87 = arith.extui %ge3A_86 : i1 to i32
      %cond3A_88 = arith.constant 0 : i32
      %cond3A_89 = arith.cmpi ne, %convert_element_type3A_87, %cond3A_88 : i32
      scf.if %cond3A_89 {
        %sub3A = arith.constant 1 : i32
        %sub3A_130 = arith.subi %add3A_84, %sub3A : i32
        %mul3A_131 = arith.constant 256 : i32
        %mul3A_132 = arith.muli %sub3A_130, %mul3A_131 : i32
        %add3A_133 = arith.addi %mul3A_4, %mul3A_132 : i32
        %dma_wait3A_134 = arith.constant 0 : i32
        %dma_wait3A_135 = tpu.memref_slice %arg4[%add3A_133, %dma_wait3A_134] : memref<819200x128xf32, #tpu.memory_space<hbm>> -> memref<256x128xf32, #tpu.memory_space<hbm>>
        %dma_wait3A_136 = arith.constant 0 : i32
        %dma_wait3A_137 = tpu.memref_slice %arg4[%add3A_133, %dma_wait3A_136] : memref<819200x128xf32, #tpu.memory_space<hbm>> -> memref<256x128xf32, #tpu.memory_space<hbm>>
        tpu.wait_dma2 semaphore(%arg10 : memref<!tpu.dma_semaphore, #tpu.memory_space<semaphore_mem>>) src(%arg6 : memref<256x128xf32, #tpu.memory_space<vmem>>) dst(%dma_wait3A_137 : memref<256x128xf32, #tpu.memory_space<hbm>>)
      } else {
      }
      %add3A_90 = arith.constant 1 : i32
      %add3A_91 = arith.addi %add3A_84, %add3A_90 : i32
      %lt3A_92 = arith.constant 100 : i32
      %lt3A_93 = arith.cmpi slt, %add3A_91, %lt3A_92 : i32
      %convert_element_type3A_94 = arith.extui %lt3A_93 : i1 to i32
      %cond3A_95 = arith.constant 0 : i32
      %cond3A_96 = arith.cmpi ne, %convert_element_type3A_94, %cond3A_95 : i32
      scf.if %cond3A_96 {
        %add3A_130 = arith.constant 1 : i32
        %add3A_131 = arith.addi %add3A_84, %add3A_130 : i32
        %mul3A_132 = arith.constant 2 : i32
        %mul3A_133 = arith.muli %add3A_131, %mul3A_132 : i32
        %add3A_134 = arith.constant 0 : i32
        %add3A_135 = arith.addi %mul3A_133, %add3A_134 : i32
        %dma_start3A_136 = arith.constant 0 : i32
        %dma_start3A_137 = arith.constant 0 : i32
        %dma_start3A_138 = tpu.memref_slice %arg6[%dma_start3A_136, %dma_start3A_137] : memref<256x128xf32, #tpu.memory_space<vmem>> -> memref<128x128xf32, #tpu.memory_space<vmem>>
        %dma_start3A_139 = arith.constant 0 : i32
        %dma_start3A_140 = tpu.memref_slice %arg5[%add3A_135, %dma_start3A_139] : memref<200x128xi32, #tpu.memory_space<vmem>> -> memref<1x128xi32, #tpu.memory_space<vmem>>
        %dma_start3A_141 = tpu.memref_squeeze %dma_start3A_140 : memref<1x128xi32, #tpu.memory_space<vmem>> -> memref<128xi32, #tpu.memory_space<vmem>>
        %dma_start3A_142 = arith.constant 0 : i32
        %dma_start3A_143 = arith.constant 0 : i32
        %dma_start3A_144 = tpu.memref_slice %arg3[%dma_start3A_142, %dma_start3A_143] : memref<100000x128xf32, #tpu.memory_space<hbm>> -> memref<100000x128xf32, #tpu.memory_space<hbm>>
        tpu.enqueue_indirect_dma source(%dma_start3A_144 : memref<100000x128xf32, #tpu.memory_space<hbm>>) target(%dma_start3A_138 : memref<128x128xf32, #tpu.memory_space<vmem>>) offsets(%dma_start3A_141 : memref<128xi32, #tpu.memory_space<vmem>>) semaphore(%arg8 : memref<!tpu.dma_semaphore, #tpu.memory_space<semaphore_mem>>)
        %mul3A_145 = arith.constant 2 : i32
        %mul3A_146 = arith.muli %add3A_131, %mul3A_145 : i32
        %add3A_147 = arith.constant 1 : i32
        %add3A_148 = arith.addi %mul3A_146, %add3A_147 : i32
        %dma_start3A_149 = arith.constant 128 : i32
        %dma_start3A_150 = arith.constant 0 : i32
        %dma_start3A_151 = tpu.memref_slice %arg6[%dma_start3A_149, %dma_start3A_150] : memref<256x128xf32, #tpu.memory_space<vmem>> -> memref<128x128xf32, #tpu.memory_space<vmem>>
        %dma_start3A_152 = arith.constant 0 : i32
        %dma_start3A_153 = tpu.memref_slice %arg5[%add3A_148, %dma_start3A_152] : memref<200x128xi32, #tpu.memory_space<vmem>> -> memref<1x128xi32, #tpu.memory_space<vmem>>
        %dma_start3A_154 = tpu.memref_squeeze %dma_start3A_153 : memref<1x128xi32, #tpu.memory_space<vmem>> -> memref<128xi32, #tpu.memory_space<vmem>>
        %dma_start3A_155 = arith.constant 0 : i32
        %dma_start3A_156 = arith.constant 0 : i32
        %dma_start3A_157 = tpu.memref_slice %arg3[%dma_start3A_155, %dma_start3A_156] : memref<100000x128xf32, #tpu.memory_space<hbm>> -> memref<100000x128xf32, #tpu.memory_space<hbm>>
        tpu.enqueue_indirect_dma source(%dma_start3A_157 : memref<100000x128xf32, #tpu.memory_space<hbm>>) target(%dma_start3A_151 : memref<128x128xf32, #tpu.memory_space<vmem>>) offsets(%dma_start3A_154 : memref<128xi32, #tpu.memory_space<vmem>>) semaphore(%arg8 : memref<!tpu.dma_semaphore, #tpu.memory_space<semaphore_mem>>)
      } else {
      }
      %mul3A_97 = arith.constant 2 : i32
      %mul3A_98 = arith.muli %add3A_84, %mul3A_97 : i32
      %add3A_99 = arith.constant 0 : i32
      %add3A_100 = arith.addi %mul3A_98, %add3A_99 : i32
      %dma_wait3A_101 = arith.constant 0 : i32
      %dma_wait3A_102 = arith.constant 0 : i32
      %dma_wait3A_103 = tpu.memref_slice %arg7[%dma_wait3A_101, %dma_wait3A_102] : memref<256x128xf32, #tpu.memory_space<vmem>> -> memref<128x128xf32, #tpu.memory_space<vmem>>
      %dma_wait3A_104 = arith.constant 0 : i32
      %dma_wait3A_105 = tpu.memref_slice %arg5[%add3A_100, %dma_wait3A_104] : memref<200x128xi32, #tpu.memory_space<vmem>> -> memref<1x128xi32, #tpu.memory_space<vmem>>
      %dma_wait3A_106 = tpu.memref_squeeze %dma_wait3A_105 : memref<1x128xi32, #tpu.memory_space<vmem>> -> memref<128xi32, #tpu.memory_space<vmem>>
      %dma_wait3A_107 = arith.constant 0 : i32
      %dma_wait3A_108 = arith.constant 0 : i32
      %dma_wait3A_109 = tpu.memref_slice %arg3[%dma_wait3A_107, %dma_wait3A_108] : memref<100000x128xf32, #tpu.memory_space<hbm>> -> memref<100000x128xf32, #tpu.memory_space<hbm>>
      tpu.wait_indirect_dma semaphore(%arg9 : memref<!tpu.dma_semaphore, #tpu.memory_space<semaphore_mem>>) src(%dma_wait3A_109 : memref<100000x128xf32, #tpu.memory_space<hbm>>) dst(%dma_wait3A_103 : memref<128x128xf32, #tpu.memory_space<vmem>>)
      %mul3A_110 = arith.constant 2 : i32
      %mul3A_111 = arith.muli %add3A_84, %mul3A_110 : i32
      %add3A_112 = arith.constant 1 : i32
      %add3A_113 = arith.addi %mul3A_111, %add3A_112 : i32
      %dma_wait3A_114 = arith.constant 128 : i32
      %dma_wait3A_115 = arith.constant 0 : i32
      %dma_wait3A_116 = tpu.memref_slice %arg7[%dma_wait3A_114, %dma_wait3A_115] : memref<256x128xf32, #tpu.memory_space<vmem>> -> memref<128x128xf32, #tpu.memory_space<vmem>>
      %dma_wait3A_117 = arith.constant 0 : i32
      %dma_wait3A_118 = tpu.memref_slice %arg5[%add3A_113, %dma_wait3A_117] : memref<200x128xi32, #tpu.memory_space<vmem>> -> memref<1x128xi32, #tpu.memory_space<vmem>>
      %dma_wait3A_119 = tpu.memref_squeeze %dma_wait3A_118 : memref<1x128xi32, #tpu.memory_space<vmem>> -> memref<128xi32, #tpu.memory_space<vmem>>
      %dma_wait3A_120 = arith.constant 0 : i32
      %dma_wait3A_121 = arith.constant 0 : i32
      %dma_wait3A_122 = tpu.memref_slice %arg3[%dma_wait3A_120, %dma_wait3A_121] : memref<100000x128xf32, #tpu.memory_space<hbm>> -> memref<100000x128xf32, #tpu.memory_space<hbm>>
      tpu.wait_indirect_dma semaphore(%arg9 : memref<!tpu.dma_semaphore, #tpu.memory_space<semaphore_mem>>) src(%dma_wait3A_122 : memref<100000x128xf32, #tpu.memory_space<hbm>>) dst(%dma_wait3A_116 : memref<128x128xf32, #tpu.memory_space<vmem>>)
      %mul3A_123 = arith.constant 256 : i32
      %mul3A_124 = arith.muli %add3A_84, %mul3A_123 : i32
      %add3A_125 = arith.addi %mul3A_4, %mul3A_124 : i32
      %dma_start3A_126 = arith.constant 0 : i32
      %dma_start3A_127 = tpu.memref_slice %arg4[%add3A_125, %dma_start3A_126] : memref<819200x128xf32, #tpu.memory_space<hbm>> -> memref<256x128xf32, #tpu.memory_space<hbm>>
      %dma_start3A_128 = arith.constant 0 : i32
      %dma_start3A_129 = tpu.memref_slice %arg4[%add3A_125, %dma_start3A_128] : memref<819200x128xf32, #tpu.memory_space<hbm>> -> memref<256x128xf32, #tpu.memory_space<hbm>>
      tpu.enqueue_dma source(%arg7 : memref<256x128xf32, #tpu.memory_space<vmem>>) target(%dma_start3A_129 : memref<256x128xf32, #tpu.memory_space<hbm>>) target_semaphore(%arg11 : memref<!tpu.dma_semaphore, #tpu.memory_space<semaphore_mem>>)
    }
    %scan3A_29 = arith.constant 50 : i32
    %add3A_30 = arith.constant 25344 : i32
    %add3A_31 = arith.addi %mul3A_4, %add3A_30 : i32
    %dma_wait3A = arith.constant 0 : i32
    %dma_wait3A_32 = tpu.memref_slice %arg4[%add3A_31, %dma_wait3A] : memref<819200x128xf32, #tpu.memory_space<hbm>> -> memref<256x128xf32, #tpu.memory_space<hbm>>
    %dma_wait3A_33 = arith.constant 0 : i32
    %dma_wait3A_34 = tpu.memref_slice %arg4[%add3A_31, %dma_wait3A_33] : memref<819200x128xf32, #tpu.memory_space<hbm>> -> memref<256x128xf32, #tpu.memory_space<hbm>>
    tpu.wait_dma2 semaphore(%arg11 : memref<!tpu.dma_semaphore, #tpu.memory_space<semaphore_mem>>) src(%arg7 : memref<256x128xf32, #tpu.memory_space<vmem>>) dst(%dma_wait3A_34 : memref<256x128xf32, #tpu.memory_space<hbm>>)
    return
  }
}

</mosaic_0001>

<sc_bundles>
// kernel: kernel.3.cloned.1.call-start
scs
__scs_entry_jumppad:
0x0: {  	(pc) =	sbr.rel $0x88, $3  }
0x1: {  	(tag) =	ssettag $0x0;
	lr =	simm.s32 $0x1  }
0x2: {  	[smem:$0x3F9F] =	sst lr;
	_ =	strace $0xD0000000  }
0x3: {  	_ = 	snop  }
0x4: {  	_ = 	snop  }
0x5: {  	_ = 	snop  }
0x6: {  	_ = 	snop  }
0x7: {  	_ = 	snop  }
__scs_overlays_trampoline_lowered:
0x8: {  	[smem:$0x3FAE] =	sst s0  }
0x9: {  	[smem:$0x3FAF] =	sst s1  }
0xa: {  	[smem:$0x3FB0] =	sst s2  }
0xb: {  	[smem:$0x3FB1] =	sst s3  }
0xc: {  	[smem:$0x3FB2] =	sst s4  }
0xd: {  	[smem:$0x3FB3] =	sst s5  }
0xe: {  	[smem:$0x3FB4] =	sst s6  }
0xf: {  	[smem:$0x3FB5] =	sst s7  }
0x10: {  	[smem:$0x3FB6] =	sst s8  }
0x11: {  	[smem:$0x3FB7] =	sst s9;
	s0 =	simm.s32 @!p0 $0x0  }
0x12: {  	s1 =	sld [smem:$0x3F9D];
	s0 =	simm.s32 @p0 $0x1  }
0x13: {  	[smem:$0x3FB8] =	sst s0;
	s0 =	simm.s32 @!p1 $0x0  }
0x14: {  	s2 =	sld [smem:$0x3F9C];
	s0 =	simm.s32 @p1 $0x1  }
0x15: {  	[smem:$0x3FB9] =	sst s0;
	s0 =	simm.s32 @!p2 $0x0  }
0x16: {  	s3 =	sld [smem:$0x3FDB];
	s0 =	simm.s32 @p2 $0x1  }
0x17: {  	s4 =	simm.s32 $0x1BF5;
	[smem:$0x3FBB] =	sst s0  }
0x18: {  	s0 =	sld [smem:$0x3F9E];
	_ =	swait.ge [sflag:s4], $0x0  }
0x19: {  	s7 =	sld [smem:$0x3F9F]  }
0x1a: {  	s8 =	sadd.s32 $0xFFFFE003, lr  }
0x1b: {  	s9 =	sadd.s32 $0xFFFFFEF7, lr;
	s5 =	simm.s32 $0xFFFFFFFF;
	p2 =	slt.u32 s8, $0xFFFFF086  }
0x1c: {  	p1 =	slt.u32 s9, $0xF7A;
	s5 =	simm.s32 @!p2 $0x0  }
0x1d: {  	s5 =	simm.s32 @p1 $0x1;
	p0 =	seq.s32 s7, s2  }
0x1e: {  	s7 =	smul.u32 @!p0 $0xF7A, s2;
	p2 =	seq.s32 @!p0 s5, $0x0  }
0x1f: {  	s9 =	smul.u32 $0xF7A, s1;
	s8 =	simm.s32 @!p0 $0x1BF5;
	p2 =	por !p2, p0  }
0x20: {  	[sflag:s8] =	ssyncset.s32 @!p0 $0xFFFFF086;
	s6 =	sadd.s32 @!p0 s3, s7;
	s7 =	simm.s32 @!p0 $0x108  }
0x21: {  	s3 =	sadd.s32 s3, s9;
	s6 =	sadd.s32 @!p0 $0x88, s6;
	s7 =	simm.s32 @p2 $0x1082  }
0x22: {  	[simem:s7], [sflag:s8] =	dma.local @!p0 [hbm:s6], $0xF7A  }
0x23: {  	s9 =	sor.u32 $0xD0000000, s2;
	s6 =	simm.s32 $0x108;
	_ =	swait.ge @!p0 [sflag:s8], $0x0  }
0x24: {  	s3 =	sadd.s32 $0x88, s3;
	s6 =	simm.s32 @!p1 $0x1082;
	[sflag:s4] =	ssyncset.s32 $0xFFFFF086  }
0x25: {  	[simem:s6], [sflag:s4] =	dma.local [hbm:s3], $0xF7A  }
0x26: {  	[smem:$0x3F9F] =	sst s1;
	(tag) =	ssettag s2;
	_ =	strace s9  }
0x27: {  	s1 =	sld [smem:$0x3FAF]  }
0x28: {  	s2 =	sld [smem:$0x3FB0]  }
0x29: {  	s4 =	sld [smem:$0x3FB2]  }
0x2a: {  	p0 =	seq.s32 s5, $0x0;
	s5 =	sld [smem:$0x3FB3]  }
0x2b: {  	s6 =	sld [smem:$0x3FB4]  }
0x2c: {  	s7 =	sld [smem:$0x3FB5]  }
0x2d: {  	s3 =	simm.s32 $0x108;
	s8 =	sld [smem:$0x3FB6]  }
0x2e: {  	s3 =	simm.s32 @!p0 $0x1082;
	s9 =	sld [smem:$0x3FB7]  }
0x2f: {  	lr =	sadd.s32 s0, s3;
	s0 =	sld [smem:$0x3FAE]  }
0x30: {  	s3 =	sld [smem:$0x3FB1]  }
0x31: {  	[smem:$0x3FBA] =	sst s10  }
0x32: {  	s10 =	sld [smem:$0x3FB8];
	_ =	sdelay $0x3  }
0x33: {  	p0 =	seq.s32 s10, $0x1;
	s10 =	sld [smem:$0x3FBA];
	_ =	sdelay $0x3  }
0x34: {  	[smem:$0x3FBA] =	sst s10  }
0x35: {  	s10 =	sld [smem:$0x3FB9];
	_ =	sdelay $0x3  }
0x36: {  	p1 =	seq.s32 s10, $0x1;
	s10 =	sld [smem:$0x3FBA];
	_ =	sdelay $0x3  }
0x37: {  	[smem:$0x3FBA] =	sst s10  }
0x38: {  	s10 =	sld [smem:$0x3FBB]  }
0x39: {  	_ = 	snop;
	(pc) =	sbr.ind lr, $3  }
0x3a: {  	_ = 	snop  }
0x3b: {  	_ = 	snop  }
0x3c: {  	p2 =	seq.s32 s10, $0x1;
	s10 =	sld [smem:$0x3FBA]  }
0x3d: {  	_ =	shalt  }
0x3e: {  	_ =	shalt  }
0x3f: {  	_ =	shalt  }
0x40: {  	_ =	shalt  }
0x41: {  	_ =	shalt  }
0x42: {  	_ =	shalt  }
0x43: {  	_ =	shalt  }
0x44: {  	_ =	shalt  }
0x45: {  	_ =	shalt  }
0x46: {  	_ =	shalt  }
0x47: {  	_ =	shalt  }
0x48: {  	_ =	shalt  }
0x49: {  	_ =	shalt  }
0x4a: {  	_ =	shalt  }
0x4b: {  	_ =	shalt  }
0x4c: {  	_ =	shalt  }
0x4d: {  	_ =	shalt  }
0x4e: {  	_ =	shalt  }
0x4f: {  	_ =	shalt  }
0x50: {  	_ =	shalt  }
0x51: {  	_ =	shalt  }
0x52: {  	_ =	shalt  }
0x53: {  	_ =	shalt  }
0x54: {  	_ =	shalt  }
0x55: {  	_ =	shalt  }
0x56: {  	_ =	shalt  }
0x57: {  	_ =	shalt  }
0x58: {  	_ =	shalt  }
0x59: {  	_ =	shalt  }
0x5a: {  	_ =	shalt  }
0x5b: {  	_ =	shalt  }
0x5c: {  	_ =	shalt  }
0x5d: {  	_ =	shalt  }
0x5e: {  	_ =	shalt  }
0x5f: {  	_ =	shalt  }
0x60: {  	_ =	shalt  }
0x61: {  	_ =	shalt  }
0x62: {  	_ =	shalt  }
0x63: {  	_ =	shalt  }
0x64: {  	_ =	shalt  }
0x65: {  	_ =	shalt  }
0x66: {  	_ =	shalt  }
0x67: {  	_ =	shalt  }
0x68: {  	_ =	shalt  }
0x69: {  	_ =	shalt  }
0x6a: {  	_ =	shalt  }
0x6b: {  	_ =	shalt  }
0x6c: {  	_ =	shalt  }
0x6d: {  	_ =	shalt  }
0x6e: {  	_ =	shalt  }
0x6f: {  	_ =	shalt  }
0x70: {  	_ =	shalt  }
0x71: {  	_ =	shalt  }
0x72: {  	_ =	shalt  }
0x73: {  	_ =	shalt  }
0x74: {  	_ =	shalt  }
0x75: {  	_ =	shalt  }
0x76: {  	_ =	shalt  }
0x77: {  	_ =	shalt  }
0x78: {  	_ =	shalt  }
0x79: {  	_ =	shalt  }
0x7a: {  	_ =	shalt  }
0x7b: {  	_ =	shalt  }
0x7c: {  	_ =	shalt  }
0x7d: {  	_ =	shalt  }
0x7e: {  	_ =	shalt  }
0x7f: {  	_ =	shalt  }
0x80: {  	_ =	shalt  }
0x81: {  	_ =	shalt  }
0x82: {  	_ =	shalt  }
0x83: {  	_ =	shalt  }
0x84: {  	_ =	shalt  }
0x85: {  	_ =	shalt  }
0x86: {  	_ =	shalt  }
0x87: {  	_ =	shalt  }
.Lfunc_end0:
.L_simem_size_0:
called_computation_lowered:
.L_overlay_start_0:
0x88: {  	s2 =	sld [smem:$0x3FD9]  }
0x89: {  	s3 =	sld [smem:$0x3FFE];
	_ =	sdelay $0x1  }
0x8a: {  	s1 =	srdreg.scid  }
0x8b: {  	s0 =	sand.u32 $0x1, s1  }
0x8c: {  	s17 =	sshll.u32 s0, $0xA;
	s2 =	sadd.s32 s3, s2  }
0x8d: {  	s2 =	sadd.s32 s2, s17  }
0x8e: {  	[smem:$0x3FC6] =	sst s2  }
0x8f: {  	_ = 	snop  }
0x90: {  	s2 =	sld [smem:$0x3FC8]  }
0x91: {  	s18 =	sld [smem:$0x3FD0];
	(tm) =	ssettm $0x1  }
0x92: {  	s4 =	sld [smem:$0x3FFB];
	_ =	sdelay $0x3  }
0x93: {  	_ =	strace s4  }
0x94: {  	s4 =	sld [smem:$0x3FFC];
	_ =	sdelay $0x3  }
0x95: {  	_ =	strace s4  }
0x96: {  	s4 =	sld [smem:$0x3FFD];
	_ =	sdelay $0x3  }
0x97: {  	_ =	strace s4  }
0x98: {  	_ =	strace $0x8FFFFFFF  }
0x99: {  	s19 =	sld [smem:$0x3FDB];
	_ =	sdelay $0x1  }
0x9a: {  	s5 =	simm.s32 $_scs_section_size  }
0x9b: {  	s6 =	simm.s32 $_size__tile_overlayer_lowered;
	s7 =	simm.s32 $_tile_overlayer_lowered  }
0x9c: {  	s22 =	simm.s32 $0x1BFF;
	s21 =	sshll.u32 s7, $0x1;
	s4 =	sadd.s32 s5, s19  }
0x9d: {  	s8 =	simm.s32 $0x0;
	s20 =	sshll.u32 s6, $0x1;
	s6 =	sadd.s32 s21, s4  }
0x9e: {  	[timem:s8], [sflag:s22] =	dma.local [hbm:s6], s20  }
0x9f: {  	_ =	swait.ge [sflag:s22], s20  }
0xa0: {  	s5 =	ssub.s32 $0x0, s20;
	[sflag:s22] =	ssyncset.done $0x0  }
0xa1: {  	[sflag:s22] =	ssyncadd.s32 s5;
	_ =	sdelay $0x1  }
0xa2: {  	s23 =	simm.s32 $0x1B8B  }
0xa3: {  	_ =	swait.ge [sflag:s23], $0x1  }
0xa4: {  	[sflag:s23] =	ssyncset.done $0x0  }
0xa5: {  	s25 =	simm.s32 $0x1B8E;
	s24 =	sld [smem:$0x3FFE];
	[sflag:s23] =	ssyncadd.s32 $0xFFFFFFFF  }
0xa6: {  	s26 =	simm.s32 $execute0_lowered;
	[smem:$0x3FD2] =	sst s25  }
0xa7: {  	s6 =	sshll.u32 s26, $0x1;
	_ =	strace $0x80000046;
	[dreg:$0x1] =	wrdreg $0xFFFFFFFF  }
0xa8: {  	s28 =	simm.s32 $_size_execute0_lowered;
	s4 =	sadd.s32 s4, s6;
	[dreg:$0x0] =	wrdreg $0x0  }
0xa9: {  	s6 =	sshll.u32 s28, $0x1;
	[dreg:$0x2] =	wrdreg s4  }
0xaa: {  	[dreg:$0x3] =	wrdreg s6  }
0xab: {  	[dreg:$0x4] =	wrdreg $0xC0  }
0xac: {  	_ =	task [dreg:s8], $0x5FFFF  }
0xad: {  	[dreg:$0x1] =	wrdreg $0xFFFFFFFF  }
0xae: {  	[dreg:$0x0] =	wrdreg $0x60  }
0xaf: {  	[dreg:$0x2] =	wrdreg s24  }
0xb0: {  	[dreg:$0x3] =	wrdreg s2  }
0xb1: {  	[dreg:$0x4] =	wrdreg s18  }
0xb2: {  	[dreg:$0x5] =	wrdreg $0x9  }
0xb3: {  	_ =	task.clear_ibuf [dreg:s8], $0x6FFFF;
	_ =	strace $0x90000046  }
0xb4: {  	s29 =	simm.s32 $0x9;
	_ =	strace $0x80000048  }
0xb5: {  	_ =	swait.ge [sflag:s29], $0x1  }
0xb6: {  	[sflag:s29] =	ssyncadd.s32 $0xFFFFFFFF  }
0xb7: {  	_ =	strace $0x90000048  }
0xb8: {  	_ =	sfence  }
0xb9: {  	s30 =	sld [smem:$0x0];
	_ =	sdelay $0x2  }
0xba: {  	s31 =	sshll.u32 s1, $0xD;
	s1 =	sshrl.u32 s1, $0x2  }
0xbb: {  	s3 =	sand.u32 $0x4000, s31;
	s1 =	sadd.s32 s1, s30  }
0xbc: {  	s0 =	sor.u32 s3, s0;
	s1 =	sshll.u32 s1, $0x11  }
0xbd: {  	s0 =	sor.u32 s1, s0  }
0xbe: {  	s0 =	sadd.s32 $0x8F2B, s0  }
0xbf: {  	[sflag:s0] =	ssyncadd.remote.s32 $0x1  }
0xc0: {  	_ =	sfence.sel $0xFFFF  }
0xc1: {  	[dreg:$0x0] =	wrdreg $0xFFFFFFFF;
	(pc) =	sbr.abs _section_cstart, $3  }
0xc2: {  	[dreg:$0x1] =	wrdreg $0xFFFFFFFF  }
0xc3: {  	_ =	task.clear_ibuf [dreg:s8], $0x2FFFF;
	_ =	strace $0x9FFFFFFF  }
0xc4: {  	(tm) =	ssettm $0x7FFFFFFF  }
0xc5: {  	_ =	shalt  }
tec
execute0_lowered:
.L_overlay_start_1:
0x0: {  	(tag) =	ssettag $0x1  }
0x1: {  	s1 =	rddreg [dreg:$0x0]  }
0x2: {  	s0 =	srdreg.scid;
	s2 =	rddreg [dreg:$0x1]  }
0x3: {  	s7 =	stileid.u32;
	s11 =	rddreg [dreg:$0x2];
	s12 =	simm.s32 $0x5  }
0x4: {  	s13 =	simm.s32 $0x80;
	s14 =	simm.s32 $0x6400;
	s15 =	simm.s32 $0xA400  }
0x5: {  	s17 =	simm.s32 $0xE400;
	s19 =	simm.s32 $0x12400;
	s20 =	simm.s32 $0x1  }
0x6: {  	s21 =	simm.s32 $0x3;
	s22 =	simm.s32 $0x200;
	s23 =	simm.s32 $0x280  }
0x7: {  	s24 =	simm.s32 $0x2;
	s25 =	simm.s32 $0x4;
	s26 =	simm.s32 $0x6300  }
0x8: {  	s0 =	sand.u32 $0x1, s0;
	s3 =	sshll.u32 s7, $0x1;
	s7 =	smul.u32 $0x640000, s7  }
0x9: {  	s4 =	sor.u32 s0, s3;
	s6 =	ssub.s32 $0x2, s0;
	s0 =	smul.u32 $0x320000, s0  }
0xa: {  	s28 =	simm.s32 $0x6380;
	s3 =	simm.s32 $0x0;
	s5 =	smul.u32 $0xC80, s4  }
0xb: {  	s4 =	smul.u32 $0x320000, s4;
	[smem:$0x7FF] =	sst s3;
	s8 =	sshrl.u32 s6, $0x1  }
0xc: {  	s29 =	simm.s32 $0x0;
	_ =	strace $0x80000047;
	s6 =	ssub.s32 s6, s8  }
0xd: {  	s0 =	sadd.s32 s0, s7;
	s1 =	sadd.s32 s5, s1;
	s30 =	sshrl.u32 s4, $0x3  }
0xe: {  	s6 =	smax.u32 s6, $0x1;
	s31 =	sor.u32 $0x10000, s0;
	s0 =	sor.u32 $0x18000, s0  }
0xf: {  	s4 =	sadd.s32 $0x400, s1;
	s5 =	sadd.s32 s11, s30;
	s1 =	sshrl.u32 s31, $0x3  }
0x10: {  	s0 =	sshrl.u32 s0, $0x3;
	s7 =	sadd.s32 $0x1000, s5;
	s8 =	sadd.s32 $0x62000, s5  }
0x11: {  	s9 =	sadd.s32 $0x63000, s5;
	s10 =	sadd.s32 s1, s11;
	s0 =	sadd.s32 s0, s11  }
.LBB2_1:
0x12: {  	[tilespmem:s3], [sflag:$0x5] =	stream.linear.gather [hbm4b:s4+s3], $0x6400, $0x38;
	[tilespmem:$0x16400] =	vst v63  }
0x13: {  	_ =	swait.ge [sflag:s12], $0x6400  }
0x14: {  	[sflag:s12] =	ssyncset.done $0x0  }
0x15: {  	[sflag:s12] =	ssyncadd.s32 $0xFFFF9C00  }
0x16: {  	[tilespmem:s14], [sflag:$0x1] =	stream.indirect.gather [hbm4b:s2+s13], $0x80, s3, s13, $0xb8;
	[tilespmem:$0x16400] =	vst v63  }
0x17: {  	_ = 	snop  }
0x18: {  	[tilespmem:s15], [sflag:$0x1] =	stream.indirect.gather [hbm4b:s2+s13], $0x80, s13, s13, $0xb8;
	[tilespmem:$0x16400] =	vst v63  }
0x19: {  	s1 =	simm.s32 $0x100  }
0x1a: {  	[tilespmem:s17], [sflag:$0x2] =	stream.indirect.gather [hbm4b:s2+s13], $0x80, s1, s13, $0xb8;
	[tilespmem:$0x16400] =	vst v63  }
0x1b: {  	s16 =	simm.s32 $0x180  }
0x1c: {  	[tilespmem:s19], [sflag:$0x2] =	stream.indirect.gather [hbm4b:s2+s13], $0x80, s16, s13, $0xb8;
	[tilespmem:$0x16400] =	vst v63  }
0x1d: {  	_ =	swait.ge [sflag:s20], $0x4000  }
0x1e: {  	[sflag:s20] =	ssyncset.done $0x0  }
0x1f: {  	[sflag:s20] =	ssyncadd.s32 $0xFFFFC000  }
0x20: {  	_ =	swait.ge [sflag:s20], $0x4000  }
0x21: {  	[sflag:s20] =	ssyncset.done $0x0  }
0x22: {  	[sflag:s20] =	ssyncadd.s32 $0xFFFFC000  }
0x23: {  	[hbm4b:s5+s3] =	stream.linear.scatter [tilespmem:s14], [sflag:$0x3], $0x8000, $0x38;
	[tilespmem:$0x16400] =	vst v63  }
0x24: {  	_ =	swait.ge [sflag:s21], $0x8000  }
0x25: {  	[sflag:s21] =	ssyncset.done $0x0  }
0x26: {  	[sflag:s21] =	ssyncadd.s32 $0xFFFF8000  }
0x27: {  	[tilespmem:s14], [sflag:$0x1] =	stream.indirect.gather [hbm4b:s2+s13], $0x80, s22, s13, $0xb8;
	[tilespmem:$0x16400] =	vst v63  }
0x28: {  	_ = 	snop  }
0x29: {  	[tilespmem:s15], [sflag:$0x1] =	stream.indirect.gather [hbm4b:s2+s13], $0x80, s23, s13, $0xb8;
	[tilespmem:$0x16400] =	vst v63  }
0x2a: {  	_ =	swait.ge [sflag:s24], $0x4000  }
0x2b: {  	[sflag:s24] =	ssyncset.done $0x0  }
0x2c: {  	[sflag:s24] =	ssyncadd.s32 $0xFFFFC000  }
0x2d: {  	_ =	swait.ge [sflag:s24], $0x4000  }
0x2e: {  	[sflag:s24] =	ssyncset.done $0x0  }
0x2f: {  	[sflag:s24] =	ssyncadd.s32 $0xFFFFC000  }
0x30: {  	[hbm4b:s7+s3] =	stream.linear.scatter [tilespmem:s17], [sflag:$0x4], $0x8000, $0x38;
	[tilespmem:$0x16400] =	vst v63  }
0x31: {  	_ =	swait.ge [sflag:s25], $0x8000  }
0x32: {  	[sflag:s25] =	ssyncset.done $0x0  }
0x33: {  	s18 =	simm.s32 $0x300;
	[sflag:s25] =	ssyncadd.s32 $0xFFFF8000  }
0x34: {  	[tilespmem:s17], [sflag:$0x2] =	stream.indirect.gather [hbm4b:s2+s13], $0x80, s18, s13, $0xb8;
	[tilespmem:$0x16400] =	vst v63  }
0x35: {  	s11 =	simm.s32 $0x380  }
0x36: {  	[tilespmem:s19], [sflag:$0x2] =	stream.indirect.gather [hbm4b:s2+s13], $0x80, s11, s13, $0xb8;
	[tilespmem:$0x16400] =	vst v63  }
0x37: {  	_ =	swait.ge [sflag:s20], $0x4000  }
0x38: {  	[sflag:s20] =	ssyncset.done $0x0  }
0x39: {  	[sflag:s20] =	ssyncadd.s32 $0xFFFFC000  }
0x3a: {  	_ =	swait.ge [sflag:s20], $0x4000  }
0x3b: {  	[sflag:s20] =	ssyncset.done $0x0  }
0x3c: {  	[sflag:s20] =	ssyncadd.s32 $0xFFFFC000  }
0x3d: {  	[hbm4b:s10+s3] =	stream.linear.scatter [tilespmem:s14], [sflag:$0x3], $0x8000, $0x38;
	[tilespmem:$0x16400] =	vst v63  }
0x3e: {  	_ =	swait.ge [sflag:s21], $0x8000  }
0x3f: {  	[sflag:s21] =	ssyncset.done $0x0  }
0x40: {  	s16 =	simm.s32 $0x400;
	[sflag:s21] =	ssyncadd.s32 $0xFFFF8000  }
0x41: {  	[tilespmem:s14], [sflag:$0x1] =	stream.indirect.gather [hbm4b:s2+s13], $0x80, s16, s13, $0xb8;
	[tilespmem:$0x16400] =	vst v63  }
0x42: {  	s18 =	simm.s32 $0x480  }
0x43: {  	[tilespmem:s15], [sflag:$0x1] =	stream.indirect.gather [hbm4b:s2+s13], $0x80, s18, s13, $0xb8;
	[tilespmem:$0x16400] =	vst v63  }
0x44: {  	_ =	swait.ge [sflag:s24], $0x4000  }
0x45: {  	[sflag:s24] =	ssyncset.done $0x0  }
0x46: {  	[sflag:s24] =	ssyncadd.s32 $0xFFFFC000  }
0x47: {  	_ =	swait.ge [sflag:s24], $0x4000  }
0x48: {  	s30 =	simm.s32 $0x800;
	s31 =	sadd.s32 $0x2000, s10;
	[sflag:s24] =	ssyncset.done $0x0  }
0x49: {  	s1 =	sadd.s32 $0x2000, s0;
	s11 =	smov.u32 s0;
	[sflag:s24] =	ssyncadd.s32 $0xFFFFC000  }
.LBB2_2:
0x4a: {  	[hbm4b:s11+s3] =	stream.linear.scatter [tilespmem:s17], [sflag:$0x4], $0x8000, $0x38;
	[tilespmem:$0x16400] =	vst v63  }
0x4b: {  	s16 =	smov.u32 s30;
	s11 =	smov.u32 s1  }
0x4c: {  	p0 =	sne.s32 s30, $0x17800;
	s30 =	sadd.s32 $0x800, s30;
	_ =	swait.ge [sflag:s25], $0x8000  }
0x4d: {  	s16 =	sshra.s32 s16, $0x2;
	[sflag:s25] =	ssyncset.done $0x0  }
0x4e: {  	s18 =	sadd.s32 $0x300, s16;
	[sflag:s25] =	ssyncadd.s32 $0xFFFF8000  }
0x4f: {  	[tilespmem:s17], [sflag:$0x2] =	stream.indirect.gather [hbm4b:s2+s13], $0x80, s18, s13, $0xb8;
	[tilespmem:$0x16400] =	vst v63  }
0x50: {  	s18 =	sadd.s32 $0x380, s16  }
0x51: {  	[tilespmem:s19], [sflag:$0x2] =	stream.indirect.gather [hbm4b:s2+s13], $0x80, s18, s13, $0xb8;
	[tilespmem:$0x16400] =	vst v63  }
0x52: {  	_ =	swait.ge [sflag:s20], $0x4000  }
0x53: {  	[sflag:s20] =	ssyncset.done $0x0  }
0x54: {  	[sflag:s20] =	ssyncadd.s32 $0xFFFFC000  }
0x55: {  	_ =	swait.ge [sflag:s20], $0x4000  }
0x56: {  	[sflag:s20] =	ssyncset.done $0x0  }
0x57: {  	[sflag:s20] =	ssyncadd.s32 $0xFFFFC000  }
0x58: {  	[hbm4b:s31+s3] =	stream.linear.scatter [tilespmem:s14], [sflag:$0x3], $0x8000, $0x38;
	[tilespmem:$0x16400] =	vst v63  }
0x59: {  	_ =	swait.ge [sflag:s21], $0x8000  }
0x5a: {  	[sflag:s21] =	ssyncset.done $0x0  }
0x5b: {  	s18 =	sadd.s32 $0x400, s16;
	[sflag:s21] =	ssyncadd.s32 $0xFFFF8000  }
0x5c: {  	[tilespmem:s14], [sflag:$0x1] =	stream.indirect.gather [hbm4b:s2+s13], $0x80, s18, s13, $0xb8;
	[tilespmem:$0x16400] =	vst v63  }
0x5d: {  	s16 =	sadd.s32 $0x480, s16  }
0x5e: {  	[tilespmem:s15], [sflag:$0x1] =	stream.indirect.gather [hbm4b:s2+s13], $0x80, s16, s13, $0xb8;
	[tilespmem:$0x16400] =	vst v63  }
0x5f: {  	_ =	swait.ge [sflag:s24], $0x4000  }
.Ltmp0:
0x60: {  	[sflag:s24] =	ssyncset.done $0x0;
	(pc) =	sbr.rel @p0 .LBB2_2-.Ltmp0, $4  }
0x61: {  	[sflag:s24] =	ssyncadd.s32 $0xFFFFC000  }
0x62: {  	_ =	swait.ge [sflag:s24], $0x4000  }
0x63: {  	[sflag:s24] =	ssyncset.done $0x0  }
0x64: {  	s1 =	sadd.s32 $0x2000, s1;
	s31 =	sadd.s32 $0x2000, s31;
	[sflag:s24] =	ssyncadd.s32 $0xFFFFC000  }
0x65: {  	[hbm4b:s11+s3] =	stream.linear.scatter [tilespmem:s17], [sflag:$0x4], $0x8000, $0x38;
	[tilespmem:$0x16400] =	vst v63  }
0x66: {  	_ =	swait.ge [sflag:s25], $0x8000  }
0x67: {  	[sflag:s25] =	ssyncset.done $0x0  }
0x68: {  	[sflag:s25] =	ssyncadd.s32 $0xFFFF8000  }
0x69: {  	[tilespmem:s17], [sflag:$0x2] =	stream.indirect.gather [hbm4b:s2+s13], $0x80, s26, s13, $0xb8;
	[tilespmem:$0x16400] =	vst v63  }
0x6a: {  	_ = 	snop  }
0x6b: {  	[tilespmem:s19], [sflag:$0x2] =	stream.indirect.gather [hbm4b:s2+s13], $0x80, s28, s13, $0xb8;
	[tilespmem:$0x16400] =	vst v63  }
0x6c: {  	_ =	swait.ge [sflag:s20], $0x4000  }
0x6d: {  	[sflag:s20] =	ssyncset.done $0x0  }
0x6e: {  	[sflag:s20] =	ssyncadd.s32 $0xFFFFC000  }
0x6f: {  	_ =	swait.ge [sflag:s20], $0x4000  }
0x70: {  	[sflag:s20] =	ssyncset.done $0x0  }
0x71: {  	[sflag:s20] =	ssyncadd.s32 $0xFFFFC000  }
0x72: {  	[hbm4b:s8+s3] =	stream.linear.scatter [tilespmem:s14], [sflag:$0x3], $0x8000, $0x38;
	[tilespmem:$0x16400] =	vst v63  }
0x73: {  	_ =	swait.ge [sflag:s21], $0x8000  }
0x74: {  	[sflag:s21] =	ssyncset.done $0x0  }
0x75: {  	[sflag:s21] =	ssyncadd.s32 $0xFFFF8000  }
0x76: {  	_ =	swait.ge [sflag:s24], $0x4000  }
0x77: {  	[sflag:s24] =	ssyncset.done $0x0  }
0x78: {  	[sflag:s24] =	ssyncadd.s32 $0xFFFFC000  }
0x79: {  	s29 =	sadd.s32 $0x1, s29;
	_ =	swait.ge [sflag:s24], $0x4000  }
0x7a: {  	p0 =	sne.s32 s29, s6;
	[sflag:s24] =	ssyncset.done $0x0  }
.Ltmp1:
0x7b: {  	[sflag:s24] =	ssyncadd.s32 $0xFFFFC000;
	(pc) =	sbr.rel @p0 .LBB2_1-.Ltmp1, $4  }
0x7c: {  	[hbm4b:s9+s3] =	stream.linear.scatter [tilespmem:s17], [sflag:$0x4], $0x8000, $0x38;
	[tilespmem:$0x16400] =	vst v63  }
0x7d: {  	_ =	swait.ge [sflag:s25], $0x8000  }
0x7e: {  	[sflag:s25] =	ssyncset.done $0x0  }
0x7f: {  	[sflag:s25] =	ssyncadd.s32 $0xFFFF8000  }
0x80: {  	_ =	sfence.sel $0x180000  }
0x81: {  	[bflag:$0x0] =	sbarrier.arrive $0xFFFF  }
0x82: {  	_ =	strace $0x90000047  }
0x83: {  	s0 =	stileid.u32;
	[bflag:$0x2] =	sbarrier.arrive $0xFFFF  }
0x84: {  	p0 =	sne.s32 s0, $0x0;
	s0 =	rddreg [dreg:$0x3]  }
0x85: {  	s0 =	sadd.s32 @!p0 $0x100000, s0  }
0x86: {  	[sflag:s0] =	ssyncadd.tile.s32 @!p0 $0x1;
	_ =	shalt  }
.Lfunc_end2:
_tile_overlayer_lowered:
.L_overlay_start_2:
0x87: {  	(tag) =	ssettag $0x2  }
0x88: {  	s0 =	rddreg [dreg:$0x0];
	s2 =	stileid.u32  }
0x89: {  	s1 =	rddreg [dreg:$0x1];
	p0 =	sne.s32 s2, $0x0  }
0x8a: {  	s3 =	rddreg [dreg:$0x2];
	[bflag:$0x3] =	sbarrier.arrive $0xFFFF;
	s2 =	simm.s32 @!p0 $0x1C05  }
0x8b: {  	[timem:s3], [sflag:s2] =	dma.local @!p0 [hbm:s0], s1  }
0x8c: {  	s0 =	simm.s32 @!p0 $0x5  }
0x8d: {  	_ =	swait.ge @!p0 [sflag:s0], s1  }
0x8e: {  	s1 =	ssub.s32 @!p0 $0x0, s1;
	[sflag:s0] =	ssyncset.done @!p0 $0x0  }
0x8f: {  	[sflag:s0] =	ssyncadd.s32 @!p0 s1  }
0x90: {  	[bflag:$0x3] =	sbarrier.arrive $0xFFFF  }
0x91: {  	_ =	shalt  }

</sc_bundles>
